<compile_context>
chip_gen: v7x
topology: tpu7x:2x2x1
jax: 0.10.2.dev20260603
libtpu: 0.0.44.dev20260713+nightly
codegen_flags: <defaults>
</compile_context>

<pallas_src>
import functools

import jax
import jax.numpy as jnp
from jax import lax
from jax.experimental import pallas as pl
from jax.experimental.pallas import tpu as pltpu
from jax.experimental.pallas import tpu_sc as plsc

_NC = 2
_NS = 16
_NW = _NC * _NS
_L = 16
_R = 16
_NBUF = 8
_LEAD = 4


def kernel(embeddings, pos_table):
    B, P, H = embeddings.shape
    ppw = P // _NW
    nchunk = ppw // _R
    nvec = (_R * H) // _L

    mesh = plsc.VectorSubcoreMesh(
        core_axis_name="c", subcore_axis_name="s",
        num_cores=_NC, num_subcores=_NS)

    @functools.partial(
        pl.kernel,
        mesh=mesh,
        out_type=jax.ShapeDtypeStruct((B, P, H), embeddings.dtype),
        scratch_types=[
            pltpu.VMEM((2, _R, H), jnp.float32),
            pltpu.VMEM((_NBUF, _R, H), jnp.float32),
            pltpu.SemaphoreType.DMA,
            pltpu.SemaphoreType.DMA,
            pltpu.SemaphoreType.DMA,
        ],
    )
    def add_pos(emb_hbm, pos_hbm, out_hbm, pos_buf, ebuf, sem_pos, sem_in, sem_out):
        wid = lax.axis_index("c") * _NS + lax.axis_index("s")
        base0 = wid * ppw

        def start_in(j):
            ch = j >> 2
            b = j & 3
            pltpu.async_copy(
                emb_hbm.at[b, pl.ds(base0 + ch * _R, _R)],
                ebuf.at[j & (_NBUF - 1)], sem_in)

        def wait_in():
            pltpu.make_async_copy(
                emb_hbm.at[0, pl.ds(0, _R)], ebuf.at[0], sem_in).wait()

        def start_out(j):
            ch = j >> 2
            b = j & 3
            pltpu.async_copy(
                ebuf.at[j & (_NBUF - 1)],
                out_hbm.at[b, pl.ds(base0 + ch * _R, _R)], sem_out)

        def wait_out():
            pltpu.make_async_copy(
                ebuf.at[0], out_hbm.at[0, pl.ds(0, _R)], sem_out).wait()

        def start_pos(ch):
            pltpu.async_copy(
                pos_hbm.at[pl.ds(base0 + ch * _R, _R)], pos_buf.at[ch % 2], sem_pos)

        def wait_pos():
            pltpu.make_async_copy(
                pos_hbm.at[pl.ds(0, _R)], pos_buf.at[0], sem_pos).wait()

        start_pos(0)
        for j in range(_LEAD):
            start_in(j)

        nunit = nchunk * B

        @pl.loop(0, nunit)
        def unit_loop(j):
            ch = j >> 2
            b = j & 3

            @pl.when(b == 0)
            def _():
                wait_pos()

                @pl.when(ch + 1 < nchunk)
                def _():
                    start_pos(ch + 1)

            wait_in()
            pos_ref = pos_buf.at[ch % 2]
            eref = ebuf.at[j & (_NBUF - 1)]

            @plsc.parallel_loop(0, nvec, unroll=8)
            def vbody(i):
                r = i & (_R - 1)
                coff = (i >> 4) * _L
                pv = pos_ref[r, pl.ds(coff, _L)]
                plsc.addupdate(eref.at[r, pl.ds(coff, _L)], pv)

            start_out(j)

            @pl.when(j >= _LEAD)
            def _():
                wait_out()

            @pl.when(j + _LEAD < nunit)
            def _():
                start_in(j + _LEAD)

        for _ in range(_LEAD):
            wait_out()

    return add_pos(embeddings, pos_table)

# --- scband reference (transcript-rebuilt; emitter-appended) ---
"""Pipeline reference for scband-learnable-position-embedding-71614284693506 (READ-ONLY COPY).

The authoritative reference and input builder live on the scoring server;
editing this copy changes nothing except your own understanding.
"""

import jax, jax.numpy as jnp
import numpy as np

MAX_POS = 8192
HIDDEN = 768
BATCH = 4


def setup_inputs(seed: int = 0) -> dict:
    key = jax.random.key(seed)
    k1, k2 = jax.random.split(key)
    embeddings = jax.random.normal(k1, (BATCH, MAX_POS, HIDDEN), dtype=jnp.float32)
    # learned parameter: position embedding table [max_position_embeddings, hidden_size]
    pos_table = jax.random.normal(k2, (MAX_POS, HIDDEN), dtype=jnp.float32) * 0.02
    return {"embeddings": embeddings, "pos_table": pos_table}


def reference(embeddings, pos_table):
    # position_ids = arange(max_position_embeddings).expand((1, -1))
    position_ids = jnp.arange(MAX_POS)[None, :]  # [1, MAX_POS]
    # embedding lookup: gather rows of the table
    position_embeddings = jnp.take(pos_table, position_ids, axis=0)  # [1, MAX_POS, HIDDEN]
    # embeddings += position_embeddings (broadcast over batch)
    return embeddings + position_embeddings

if __name__ == "__main__":
    import jax
    _d = setup_inputs()
    print(jax.jit(kernel)(*tuple(_d.values())))

</pallas_src>

<mosaic_0001>
#map = affine_map<(d0, d1) -> (0, 0, 0)>
#map1 = affine_map<(d0, d1) -> (0, 0)>
module attributes {stable_mosaic.version = 14 : i64} {
  func.func @add_pos(%arg0: i32, %arg1: i32, %arg2: memref<4x8192x768xf32, #tpu.memory_space<hbm>>, %arg3: memref<8192x768xf32, #tpu.memory_space<hbm>>, %arg4: memref<4x8192x768xf32, #tpu.memory_space<hbm>>, %arg5: memref<2x16x768xf32, #tpu.memory_space<vmem>>, %arg6: memref<8x16x768xf32, #tpu.memory_space<vmem>>, %arg7: memref<!tpu.dma_semaphore, #tpu.memory_space<semaphore_mem>>, %arg8: memref<!tpu.dma_semaphore, #tpu.memory_space<semaphore_mem>>, %arg9: memref<!tpu.dma_semaphore, #tpu.memory_space<semaphore_mem>>) attributes {dimension_semantics = [#tpu.dimension_semantics<core_parallel>, #tpu.dimension_semantics<subcore_parallel>], iteration_bounds = array<i64: 2, 16>, scalar_prefetch = 0 : i64, scratch_operands = 5 : i64, tpu.core_type = #tpu.core_type<sc_vector_subcore>, window_params = [{transform_indices = #map}, {transform_indices = #map1}, {transform_indices = #map}]} {
    %mul3A = arith.constant 16 : i32
    %mul3A_0 = arith.muli %arg0, %mul3A : i32
    %add3A = arith.addi %mul3A_0, %arg1 : i32
    %mul3A_1 = arith.constant 256 : i32
    %mul3A_2 = arith.muli %add3A, %mul3A_1 : i32
    %add3A_3 = arith.constant 0 : i32
    %add3A_4 = arith.addi %mul3A_2, %add3A_3 : i32
    %dma_start3A = arith.constant 0 : i32
    %dma_start3A_5 = arith.constant 0 : i32
    %dma_start3A_6 = arith.constant 0 : i32
    %dma_start3A_7 = tpu.memref_slice %arg5[%dma_start3A, %dma_start3A_5, %dma_start3A_6] : memref<2x16x768xf32, #tpu.memory_space<vmem>> -> memref<1x16x768xf32, #tpu.memory_space<vmem>>
    %dma_start3A_8 = tpu.memref_squeeze %dma_start3A_7 : memref<1x16x768xf32, #tpu.memory_space<vmem>> -> memref<16x768xf32, #tpu.memory_space<vmem>>
    %dma_start3A_9 = arith.constant 0 : i32
    %dma_start3A_10 = tpu.memref_slice %arg3[%add3A_4, %dma_start3A_9] : memref<8192x768xf32, #tpu.memory_space<hbm>> -> memref<16x768xf32, #tpu.memory_space<hbm>>
    %dma_start3A_11 = arith.constant 0 : i32
    %dma_start3A_12 = arith.constant 0 : i32
    %dma_start3A_13 = tpu.memref_slice %arg5[%dma_start3A, %dma_start3A_11, %dma_start3A_12] : memref<2x16x768xf32, #tpu.memory_space<vmem>> -> memref<1x16x768xf32, #tpu.memory_space<vmem>>
    %dma_start3A_14 = tpu.memref_squeeze %dma_start3A_13 : memref<1x16x768xf32, #tpu.memory_space<vmem>> -> memref<16x768xf32, #tpu.memory_space<vmem>>
    %dma_start3A_15 = arith.constant 0 : i32
    %dma_start3A_16 = tpu.memref_slice %arg3[%add3A_4, %dma_start3A_15] : memref<8192x768xf32, #tpu.memory_space<hbm>> -> memref<16x768xf32, #tpu.memory_space<hbm>>
    tpu.enqueue_dma source(%dma_start3A_16 : memref<16x768xf32, #tpu.memory_space<hbm>>) target(%dma_start3A_14 : memref<16x768xf32, #tpu.memory_space<vmem>>) target_semaphore(%arg7 : memref<!tpu.dma_semaphore, #tpu.memory_space<semaphore_mem>>)
    %add3A_17 = arith.constant 0 : i32
    %add3A_18 = arith.addi %mul3A_2, %add3A_17 : i32
    %dma_start3A_19 = arith.constant 0 : i32
    %dma_start3A_20 = arith.constant 0 : i32
    %dma_start3A_21 = arith.constant 0 : i32
    %dma_start3A_22 = arith.constant 0 : i32
    %dma_start3A_23 = tpu.memref_slice %arg6[%dma_start3A_20, %dma_start3A_21, %dma_start3A_22] : memref<8x16x768xf32, #tpu.memory_space<vmem>> -> memref<1x16x768xf32, #tpu.memory_space<vmem>>
    %dma_start3A_24 = tpu.memref_squeeze %dma_start3A_23 : memref<1x16x768xf32, #tpu.memory_space<vmem>> -> memref<16x768xf32, #tpu.memory_space<vmem>>
    %dma_start3A_25 = arith.constant 0 : i32
    %dma_start3A_26 = tpu.memref_slice %arg2[%dma_start3A_19, %add3A_18, %dma_start3A_25] : memref<4x8192x768xf32, #tpu.memory_space<hbm>> -> memref<1x16x768xf32, #tpu.memory_space<hbm>>
    %dma_start3A_27 = tpu.memref_squeeze %dma_start3A_26 : memref<1x16x768xf32, #tpu.memory_space<hbm>> -> memref<16x768xf32, #tpu.memory_space<hbm>>
    %dma_start3A_28 = arith.constant 0 : i32
    %dma_start3A_29 = arith.constant 0 : i32
    %dma_start3A_30 = tpu.memref_slice %arg6[%dma_start3A_20, %dma_start3A_28, %dma_start3A_29] : memref<8x16x768xf32, #tpu.memory_space<vmem>> -> memref<1x16x768xf32, #tpu.memory_space<vmem>>
    %dma_start3A_31 = tpu.memref_squeeze %dma_start3A_30 : memref<1x16x768xf32, #tpu.memory_space<vmem>> -> memref<16x768xf32, #tpu.memory_space<vmem>>
    %dma_start3A_32 = arith.constant 0 : i32
    %dma_start3A_33 = tpu.memref_slice %arg2[%dma_start3A_19, %add3A_18, %dma_start3A_32] : memref<4x8192x768xf32, #tpu.memory_space<hbm>> -> memref<1x16x768xf32, #tpu.memory_space<hbm>>
    %dma_start3A_34 = tpu.memref_squeeze %dma_start3A_33 : memref<1x16x768xf32, #tpu.memory_space<hbm>> -> memref<16x768xf32, #tpu.memory_space<hbm>>
    tpu.enqueue_dma source(%dma_start3A_34 : memref<16x768xf32, #tpu.memory_space<hbm>>) target(%dma_start3A_31 : memref<16x768xf32, #tpu.memory_space<vmem>>) target_semaphore(%arg8 : memref<!tpu.dma_semaphore, #tpu.memory_space<semaphore_mem>>)
    %add3A_35 = arith.constant 0 : i32
    %add3A_36 = arith.addi %mul3A_2, %add3A_35 : i32
    %dma_start3A_37 = arith.constant 1 : i32
    %dma_start3A_38 = arith.constant 1 : i32
    %dma_start3A_39 = arith.constant 0 : i32
    %dma_start3A_40 = arith.constant 0 : i32
    %dma_start3A_41 = tpu.memref_slice %arg6[%dma_start3A_38, %dma_start3A_39, %dma_start3A_40] : memref<8x16x768xf32, #tpu.memory_space<vmem>> -> memref<1x16x768xf32, #tpu.memory_space<vmem>>
    %dma_start3A_42 = tpu.memref_squeeze %dma_start3A_41 : memref<1x16x768xf32, #tpu.memory_space<vmem>> -> memref<16x768xf32, #tpu.memory_space<vmem>>
    %dma_start3A_43 = arith.constant 0 : i32
    %dma_start3A_44 = tpu.memref_slice %arg2[%dma_start3A_37, %add3A_36, %dma_start3A_43] : memref<4x8192x768xf32, #tpu.memory_space<hbm>> -> memref<1x16x768xf32, #tpu.memory_space<hbm>>
    %dma_start3A_45 = tpu.memref_squeeze %dma_start3A_44 : memref<1x16x768xf32, #tpu.memory_space<hbm>> -> memref<16x768xf32, #tpu.memory_space<hbm>>
    %dma_start3A_46 = arith.constant 0 : i32
    %dma_start3A_47 = arith.constant 0 : i32
    %dma_start3A_48 = tpu.memref_slice %arg6[%dma_start3A_38, %dma_start3A_46, %dma_start3A_47] : memref<8x16x768xf32, #tpu.memory_space<vmem>> -> memref<1x16x768xf32, #tpu.memory_space<vmem>>
    %dma_start3A_49 = tpu.memref_squeeze %dma_start3A_48 : memref<1x16x768xf32, #tpu.memory_space<vmem>> -> memref<16x768xf32, #tpu.memory_space<vmem>>
    %dma_start3A_50 = arith.constant 0 : i32
    %dma_start3A_51 = tpu.memref_slice %arg2[%dma_start3A_37, %add3A_36, %dma_start3A_50] : memref<4x8192x768xf32, #tpu.memory_space<hbm>> -> memref<1x16x768xf32, #tpu.memory_space<hbm>>
    %dma_start3A_52 = tpu.memref_squeeze %dma_start3A_51 : memref<1x16x768xf32, #tpu.memory_space<hbm>> -> memref<16x768xf32, #tpu.memory_space<hbm>>
    tpu.enqueue_dma source(%dma_start3A_52 : memref<16x768xf32, #tpu.memory_space<hbm>>) target(%dma_start3A_49 : memref<16x768xf32, #tpu.memory_space<vmem>>) target_semaphore(%arg8 : memref<!tpu.dma_semaphore, #tpu.memory_space<semaphore_mem>>)
    %add3A_53 = arith.constant 0 : i32
    %add3A_54 = arith.addi %mul3A_2, %add3A_53 : i32
    %dma_start3A_55 = arith.constant 2 : i32
    %dma_start3A_56 = arith.constant 2 : i32
    %dma_start3A_57 = arith.constant 0 : i32
    %dma_start3A_58 = arith.constant 0 : i32
    %dma_start3A_59 = tpu.memref_slice %arg6[%dma_start3A_56, %dma_start3A_57, %dma_start3A_58] : memref<8x16x768xf32, #tpu.memory_space<vmem>> -> memref<1x16x768xf32, #tpu.memory_space<vmem>>
    %dma_start3A_60 = tpu.memref_squeeze %dma_start3A_59 : memref<1x16x768xf32, #tpu.memory_space<vmem>> -> memref<16x768xf32, #tpu.memory_space<vmem>>
    %dma_start3A_61 = arith.constant 0 : i32
    %dma_start3A_62 = tpu.memref_slice %arg2[%dma_start3A_55, %add3A_54, %dma_start3A_61] : memref<4x8192x768xf32, #tpu.memory_space<hbm>> -> memref<1x16x768xf32, #tpu.memory_space<hbm>>
    %dma_start3A_63 = tpu.memref_squeeze %dma_start3A_62 : memref<1x16x768xf32, #tpu.memory_space<hbm>> -> memref<16x768xf32, #tpu.memory_space<hbm>>
    %dma_start3A_64 = arith.constant 0 : i32
    %dma_start3A_65 = arith.constant 0 : i32
    %dma_start3A_66 = tpu.memref_slice %arg6[%dma_start3A_56, %dma_start3A_64, %dma_start3A_65] : memref<8x16x768xf32, #tpu.memory_space<vmem>> -> memref<1x16x768xf32, #tpu.memory_space<vmem>>
    %dma_start3A_67 = tpu.memref_squeeze %dma_start3A_66 : memref<1x16x768xf32, #tpu.memory_space<vmem>> -> memref<16x768xf32, #tpu.memory_space<vmem>>
    %dma_start3A_68 = arith.constant 0 : i32
    %dma_start3A_69 = tpu.memref_slice %arg2[%dma_start3A_55, %add3A_54, %dma_start3A_68] : memref<4x8192x768xf32, #tpu.memory_space<hbm>> -> memref<1x16x768xf32, #tpu.memory_space<hbm>>
    %dma_start3A_70 = tpu.memref_squeeze %dma_start3A_69 : memref<1x16x768xf32, #tpu.memory_space<hbm>> -> memref<16x768xf32, #tpu.memory_space<hbm>>
    tpu.enqueue_dma source(%dma_start3A_70 : memref<16x768xf32, #tpu.memory_space<hbm>>) target(%dma_start3A_67 : memref<16x768xf32, #tpu.memory_space<vmem>>) target_semaphore(%arg8 : memref<!tpu.dma_semaphore, #tpu.memory_space<semaphore_mem>>)
    %add3A_71 = arith.constant 0 : i32
    %add3A_72 = arith.addi %mul3A_2, %add3A_71 : i32
    %dma_start3A_73 = arith.constant 3 : i32
    %dma_start3A_74 = arith.constant 3 : i32
    %dma_start3A_75 = arith.constant 0 : i32
    %dma_start3A_76 = arith.constant 0 : i32
    %dma_start3A_77 = tpu.memref_slice %arg6[%dma_start3A_74, %dma_start3A_75, %dma_start3A_76] : memref<8x16x768xf32, #tpu.memory_space<vmem>> -> memref<1x16x768xf32, #tpu.memory_space<vmem>>
    %dma_start3A_78 = tpu.memref_squeeze %dma_start3A_77 : memref<1x16x768xf32, #tpu.memory_space<vmem>> -> memref<16x768xf32, #tpu.memory_space<vmem>>
    %dma_start3A_79 = arith.constant 0 : i32
    %dma_start3A_80 = tpu.memref_slice %arg2[%dma_start3A_73, %add3A_72, %dma_start3A_79] : memref<4x8192x768xf32, #tpu.memory_space<hbm>> -> memref<1x16x768xf32, #tpu.memory_space<hbm>>
    %dma_start3A_81 = tpu.memref_squeeze %dma_start3A_80 : memref<1x16x768xf32, #tpu.memory_space<hbm>> -> memref<16x768xf32, #tpu.memory_space<hbm>>
    %dma_start3A_82 = arith.constant 0 : i32
    %dma_start3A_83 = arith.constant 0 : i32
    %dma_start3A_84 = tpu.memref_slice %arg6[%dma_start3A_74, %dma_start3A_82, %dma_start3A_83] : memref<8x16x768xf32, #tpu.memory_space<vmem>> -> memref<1x16x768xf32, #tpu.memory_space<vmem>>
    %dma_start3A_85 = tpu.memref_squeeze %dma_start3A_84 : memref<1x16x768xf32, #tpu.memory_space<vmem>> -> memref<16x768xf32, #tpu.memory_space<vmem>>
    %dma_start3A_86 = arith.constant 0 : i32
    %dma_start3A_87 = tpu.memref_slice %arg2[%dma_start3A_73, %add3A_72, %dma_start3A_86] : memref<4x8192x768xf32, #tpu.memory_space<hbm>> -> memref<1x16x768xf32, #tpu.memory_space<hbm>>
    %dma_start3A_88 = tpu.memref_squeeze %dma_start3A_87 : memref<1x16x768xf32, #tpu.memory_space<hbm>> -> memref<16x768xf32, #tpu.memory_space<hbm>>
    tpu.enqueue_dma source(%dma_start3A_88 : memref<16x768xf32, #tpu.memory_space<hbm>>) target(%dma_start3A_85 : memref<16x768xf32, #tpu.memory_space<vmem>>) target_semaphore(%arg8 : memref<!tpu.dma_semaphore, #tpu.memory_space<semaphore_mem>>)
    %scan3A = arith.constant 0 : i32
    %scan3A_89 = arith.constant 64 : i32
    %scan3A_90 = arith.addi %scan3A, %scan3A_89 : i32
    %scan3A_91 = arith.constant 1 : i32
    scf.for %scan3A_164 = %scan3A to %scan3A_90 step %scan3A_91  : i32 {
      %mul3A_165 = arith.constant 1 : i32
      %mul3A_166 = arith.muli %scan3A_164, %mul3A_165 : i32
      %add3A_167 = arith.constant 0 : i32
      %add3A_168 = arith.addi %add3A_167, %mul3A_166 : i32
      %shift_right_arithmetic3A = arith.constant 2 : i32
      %shift_right_arithmetic3A_169 = arith.shrsi %add3A_168, %shift_right_arithmetic3A : i32
      %and3A = arith.constant 3 : i32
      %and3A_170 = arith.andi %add3A_168, %and3A : i32
      %eq3A = arith.constant 0 : i32
      %eq3A_171 = arith.cmpi eq, %and3A_170, %eq3A : i32
      %convert_element_type3A = arith.extui %eq3A_171 : i1 to i32
      %cond3A = arith.constant 0 : i32
      %cond3A_172 = arith.cmpi ne, %convert_element_type3A, %cond3A : i32
      scf.if %cond3A_172 {
        %dma_wait3A_240 = arith.constant 0 : i32
        %dma_wait3A_241 = arith.constant 0 : i32
        %dma_wait3A_242 = arith.constant 0 : i32
        %dma_wait3A_243 = tpu.memref_slice %arg5[%dma_wait3A_240, %dma_wait3A_241, %dma_wait3A_242] : memref<2x16x768xf32, #tpu.memory_space<vmem>> -> memref<1x16x768xf32, #tpu.memory_space<vmem>>
        %dma_wait3A_244 = tpu.memref_squeeze %dma_wait3A_243 : memref<1x16x768xf32, #tpu.memory_space<vmem>> -> memref<16x768xf32, #tpu.memory_space<vmem>>
        %dma_wait3A_245 = arith.constant 0 : i32
        %dma_wait3A_246 = arith.constant 0 : i32
        %dma_wait3A_247 = tpu.memref_slice %arg3[%dma_wait3A_245, %dma_wait3A_246] : memref<8192x768xf32, #tpu.memory_space<hbm>> -> memref<16x768xf32, #tpu.memory_space<hbm>>
        %dma_wait3A_248 = arith.constant 0 : i32
        %dma_wait3A_249 = arith.constant 0 : i32
        %dma_wait3A_250 = tpu.memref_slice %arg5[%dma_wait3A_240, %dma_wait3A_248, %dma_wait3A_249] : memref<2x16x768xf32, #tpu.memory_space<vmem>> -> memref<1x16x768xf32, #tpu.memory_space<vmem>>
        %dma_wait3A_251 = tpu.memref_squeeze %dma_wait3A_250 : memref<1x16x768xf32, #tpu.memory_space<vmem>> -> memref<16x768xf32, #tpu.memory_space<vmem>>
        %dma_wait3A_252 = arith.constant 0 : i32
        %dma_wait3A_253 = arith.constant 0 : i32
        %dma_wait3A_254 = tpu.memref_slice %arg3[%dma_wait3A_252, %dma_wait3A_253] : memref<8192x768xf32, #tpu.memory_space<hbm>> -> memref<16x768xf32, #tpu.memory_space<hbm>>
        tpu.wait_dma2 semaphore(%arg7 : memref<!tpu.dma_semaphore, #tpu.memory_space<semaphore_mem>>) src(%dma_wait3A_254 : memref<16x768xf32, #tpu.memory_space<hbm>>) dst(%dma_wait3A_251 : memref<16x768xf32, #tpu.memory_space<vmem>>)
        %add3A_255 = arith.constant 1 : i32
        %add3A_256 = arith.addi %shift_right_arithmetic3A_169, %add3A_255 : i32
        %lt3A_257 = arith.constant 16 : i32
        %lt3A_258 = arith.cmpi slt, %add3A_256, %lt3A_257 : i32
        %convert_element_type3A_259 = arith.extui %lt3A_258 : i1 to i32
        %cond3A_260 = arith.constant 0 : i32
        %cond3A_261 = arith.cmpi ne, %convert_element_type3A_259, %cond3A_260 : i32
        scf.if %cond3A_261 {
          %add3A_262 = arith.constant 1 : i32
          %add3A_263 = arith.addi %shift_right_arithmetic3A_169, %add3A_262 : i32
          %mul3A_264 = arith.constant 16 : i32
          %mul3A_265 = arith.muli %add3A_263, %mul3A_264 : i32
          %add3A_266 = arith.addi %mul3A_2, %mul3A_265 : i32
          %jit3A_267 = arith.constant 2 : i32
          %eq3A_268 = arith.constant 0 : i32
          %eq3A_269 = arith.cmpi eq, %jit3A_267, %eq3A_268 : i32
          %jit3A_270 = arith.constant 1 : i32
          %select_n3A_271 = arith.select %eq3A_269, %jit3A_270, %jit3A_267 : i32
          %rem3A_272 = arith.remsi %add3A_263, %select_n3A_271 : i32
          %ne3A_273 = arith.constant 0 : i32
          %ne3A_274 = arith.cmpi ne, %rem3A_272, %ne3A_273 : i32
          %lt3A_275 = arith.constant 0 : i32
          %lt3A_276 = arith.cmpi slt, %rem3A_272, %lt3A_275 : i32
          %lt3A_277 = arith.constant 0 : i32
          %lt3A_278 = arith.cmpi slt, %select_n3A_271, %lt3A_277 : i32
          %ne3A_279 = arith.xori %lt3A_276, %lt3A_278 : i1
          %and3A_280 = arith.andi %ne3A_279, %ne3A_274 : i1
          %add3A_281 = arith.addi %rem3A_272, %select_n3A_271 : i32
          %select_n3A_282 = arith.select %and3A_280, %add3A_281, %rem3A_272 : i32
          %dma_start3A_283 = arith.constant 0 : i32
          %dma_start3A_284 = arith.constant 0 : i32
          %dma_start3A_285 = tpu.memref_slice %arg5[%select_n3A_282, %dma_start3A_283, %dma_start3A_284] : memref<2x16x768xf32, #tpu.memory_space<vmem>> -> memref<1x16x768xf32, #tpu.memory_space<vmem>>
          %dma_start3A_286 = tpu.memref_squeeze %dma_start3A_285 : memref<1x16x768xf32, #tpu.memory_space<vmem>> -> memref<16x768xf32, #tpu.memory_space<vmem>>
          %dma_start3A_287 = arith.constant 0 : i32
          %dma_start3A_288 = tpu.memref_slice %arg3[%add3A_266, %dma_start3A_287] : memref<8192x768xf32, #tpu.memory_space<hbm>> -> memref<16x768xf32, #tpu.memory_space<hbm>>
          %dma_start3A_289 = arith.constant 0 : i32
          %dma_start3A_290 = arith.constant 0 : i32
          %dma_start3A_291 = tpu.memref_slice %arg5[%select_n3A_282, %dma_start3A_289, %dma_start3A_290] : memref<2x16x768xf32, #tpu.memory_space<vmem>> -> memref<1x16x768xf32, #tpu.memory_space<vmem>>
          %dma_start3A_292 = tpu.memref_squeeze %dma_start3A_291 : memref<1x16x768xf32, #tpu.memory_space<vmem>> -> memref<16x768xf32, #tpu.memory_space<vmem>>
          %dma_start3A_293 = arith.constant 0 : i32
          %dma_start3A_294 = tpu.memref_slice %arg3[%add3A_266, %dma_start3A_293] : memref<8192x768xf32, #tpu.memory_space<hbm>> -> memref<16x768xf32, #tpu.memory_space<hbm>>
          tpu.enqueue_dma source(%dma_start3A_294 : memref<16x768xf32, #tpu.memory_space<hbm>>) target(%dma_start3A_292 : memref<16x768xf32, #tpu.memory_space<vmem>>) target_semaphore(%arg7 : memref<!tpu.dma_semaphore, #tpu.memory_space<semaphore_mem>>)
        } else {
        }
      } else {
      }
      %dma_wait3A_173 = arith.constant 0 : i32
      %dma_wait3A_174 = arith.constant 0 : i32
      %dma_wait3A_175 = arith.constant 0 : i32
      %dma_wait3A_176 = arith.constant 0 : i32
      %dma_wait3A_177 = tpu.memref_slice %arg6[%dma_wait3A_174, %dma_wait3A_175, %dma_wait3A_176] : memref<8x16x768xf32, #tpu.memory_space<vmem>> -> memref<1x16x768xf32, #tpu.memory_space<vmem>>
      %dma_wait3A_178 = tpu.memref_squeeze %dma_wait3A_177 : memref<1x16x768xf32, #tpu.memory_space<vmem>> -> memref<16x768xf32, #tpu.memory_space<vmem>>
      %dma_wait3A_179 = arith.constant 0 : i32
      %dma_wait3A_180 = arith.constant 0 : i32
      %dma_wait3A_181 = tpu.memref_slice %arg2[%dma_wait3A_173, %dma_wait3A_179, %dma_wait3A_180] : memref<4x8192x768xf32, #tpu.memory_space<hbm>> -> memref<1x16x768xf32, #tpu.memory_space<hbm>>
      %dma_wait3A_182 = tpu.memref_squeeze %dma_wait3A_181 : memref<1x16x768xf32, #tpu.memory_space<hbm>> -> memref<16x768xf32, #tpu.memory_space<hbm>>
      %dma_wait3A_183 = arith.constant 0 : i32
      %dma_wait3A_184 = arith.constant 0 : i32
      %dma_wait3A_185 = tpu.memref_slice %arg6[%dma_wait3A_174, %dma_wait3A_183, %dma_wait3A_184] : memref<8x16x768xf32, #tpu.memory_space<vmem>> -> memref<1x16x768xf32, #tpu.memory_space<vmem>>
      %dma_wait3A_186 = tpu.memref_squeeze %dma_wait3A_185 : memref<1x16x768xf32, #tpu.memory_space<vmem>> -> memref<16x768xf32, #tpu.memory_space<vmem>>
      %dma_wait3A_187 = arith.constant 0 : i32
      %dma_wait3A_188 = arith.constant 0 : i32
      %dma_wait3A_189 = tpu.memref_slice %arg2[%dma_wait3A_173, %dma_wait3A_187, %dma_wait3A_188] : memref<4x8192x768xf32, #tpu.memory_space<hbm>> -> memref<1x16x768xf32, #tpu.memory_space<hbm>>
      %dma_wait3A_190 = tpu.memref_squeeze %dma_wait3A_189 : memref<1x16x768xf32, #tpu.memory_space<hbm>> -> memref<16x768xf32, #tpu.memory_space<hbm>>
      tpu.wait_dma2 semaphore(%arg8 : memref<!tpu.dma_semaphore, #tpu.memory_space<semaphore_mem>>) src(%dma_wait3A_190 : memref<16x768xf32, #tpu.memory_space<hbm>>) dst(%dma_wait3A_186 : memref<16x768xf32, #tpu.memory_space<vmem>>)
      %jit3A = arith.constant 2 : i32
      %eq3A_191 = arith.constant 0 : i32
      %eq3A_192 = arith.cmpi eq, %jit3A, %eq3A_191 : i32
      %jit3A_193 = arith.constant 1 : i32
      %select_n3A = arith.select %eq3A_192, %jit3A_193, %jit3A : i32
      %rem3A = arith.remsi %shift_right_arithmetic3A_169, %select_n3A : i32
      %ne3A = arith.constant 0 : i32
      %ne3A_194 = arith.cmpi ne, %rem3A, %ne3A : i32
      %lt3A = arith.constant 0 : i32
      %lt3A_195 = arith.cmpi slt, %rem3A, %lt3A : i32
      %lt3A_196 = arith.constant 0 : i32
      %lt3A_197 = arith.cmpi slt, %select_n3A, %lt3A_196 : i32
      %ne3A_198 = arith.xori %lt3A_195, %lt3A_197 : i1
      %and3A_199 = arith.andi %ne3A_198, %ne3A_194 : i1
      %add3A_200 = arith.addi %rem3A, %select_n3A : i32
      %select_n3A_201 = arith.select %and3A_199, %add3A_200, %rem3A : i32
      %and3A_202 = arith.constant 7 : i32
      %and3A_203 = arith.andi %add3A_168, %and3A_202 : i32
      %parallel_loop3A = arith.constant 0 : i32
      %parallel_loop3A_204 = arith.constant 768 : i32
      %parallel_loop3A_205 = arith.constant 1 : i32
      scf.for %parallel_loop3A_240 = %parallel_loop3A to %parallel_loop3A_204 step %parallel_loop3A_205  : i32 {
        %parallel_loop3A_241 = arith.constant 15 : i32
        %parallel_loop3A_242 = arith.andi %parallel_loop3A_240, %parallel_loop3A_241 : i32
        %parallel_loop3A_243 = arith.constant 4 : i32
        %parallel_loop3A_244 = arith.shrsi %parallel_loop3A_240, %parallel_loop3A_243 : i32
        %parallel_loop3A_245 = arith.constant 16 : i32
        %parallel_loop3A_246 = arith.muli %parallel_loop3A_244, %parallel_loop3A_245 : i32
        %parallel_loop3A_247 = arith.constant 0 : i32
        %parallel_loop3A_248 = arith.constant 0 : i32
        %parallel_loop3A_249 = tpu.memref_slice %arg5[%select_n3A_201, %parallel_loop3A_247, %parallel_loop3A_248] : memref<2x16x768xf32, #tpu.memory_space<vmem>> -> memref<1x16x768xf32, #tpu.memory_space<vmem>>
        %parallel_loop3A_250 = tpu.memref_squeeze %parallel_loop3A_249 : memref<1x16x768xf32, #tpu.memory_space<vmem>> -> memref<16x768xf32, #tpu.memory_space<vmem>>
        %parallel_loop3A_251 = arith.index_cast %parallel_loop3A_242 : i32 to index
        %parallel_loop3A_252 = arith.index_cast %parallel_loop3A_246 : i32 to index
        %parallel_loop3A_253 = tpu.vector_load %parallel_loop3A_250[%parallel_loop3A_251, %parallel_loop3A_252] {strides = array<i32>} : memref<16x768xf32, #tpu.memory_space<vmem>>, vector<1x16xf32>,
        %parallel_loop3A_254 = vector.shape_cast %parallel_loop3A_253 : vector<1x16xf32> to vector<16xf32>
        %parallel_loop3A_255 = arith.constant 0 : i32
        %parallel_loop3A_256 = arith.constant 0 : i32
        %parallel_loop3A_257 = tpu.memref_slice %arg6[%and3A_203, %parallel_loop3A_255, %parallel_loop3A_256] : memref<8x16x768xf32, #tpu.memory_space<vmem>> -> memref<1x16x768xf32, #tpu.memory_space<vmem>>
        %parallel_loop3A_258 = tpu.memref_squeeze %parallel_loop3A_257 : memref<1x16x768xf32, #tpu.memory_space<vmem>> -> memref<16x768xf32, #tpu.memory_space<vmem>>
        %parallel_loop3A_259 = arith.index_cast %parallel_loop3A_242 : i32 to index
        %parallel_loop3A_260 = arith.index_cast %parallel_loop3A_246 : i32 to index
        %parallel_loop3A_261 = tpu.vector_load %parallel_loop3A_258[%parallel_loop3A_259, %parallel_loop3A_260] {strides = array<i32>} : memref<16x768xf32, #tpu.memory_space<vmem>>, vector<1x16xf32>,
        %parallel_loop3A_262 = vector.shape_cast %parallel_loop3A_261 : vector<1x16xf32> to vector<16xf32>
        %parallel_loop3A_263 = vector.shape_cast %parallel_loop3A_254 : vector<16xf32> to vector<1x16xf32>
        tpu.vector_store %parallel_loop3A_258[%parallel_loop3A_259, %parallel_loop3A_260], %parallel_loop3A_263 {add = true, strides = array<i32>} : memref<16x768xf32, #tpu.memory_space<vmem>>, vector<1x16xf32>,
      } {sc.loop_unroll_factor = 8 : i64, sc.parallel_access}
      %shift_right_arithmetic3A_206 = arith.constant 2 : i32
      %shift_right_arithmetic3A_207 = arith.shrsi %add3A_168, %shift_right_arithmetic3A_206 : i32
      %and3A_208 = arith.constant 3 : i32
      %and3A_209 = arith.andi %add3A_168, %and3A_208 : i32
      %and3A_210 = arith.constant 7 : i32
      %and3A_211 = arith.andi %add3A_168, %and3A_210 : i32
      %mul3A_212 = arith.constant 16 : i32
      %mul3A_213 = arith.muli %shift_right_arithmetic3A_207, %mul3A_212 : i32
      %add3A_214 = arith.addi %mul3A_2, %mul3A_213 : i32
      %dma_start3A_215 = arith.constant 0 : i32
      %dma_start3A_216 = arith.constant 0 : i32
      %dma_start3A_217 = tpu.memref_slice %arg6[%and3A_211, %dma_start3A_215, %dma_start3A_216] : memref<8x16x768xf32, #tpu.memory_space<vmem>> -> memref<1x16x768xf32, #tpu.memory_space<vmem>>
      %dma_start3A_218 = tpu.memref_squeeze %dma_start3A_217 : memref<1x16x768xf32, #tpu.memory_space<vmem>> -> memref<16x768xf32, #tpu.memory_space<vmem>>
      %dma_start3A_219 = arith.constant 0 : i32
      %dma_start3A_220 = tpu.memref_slice %arg4[%and3A_209, %add3A_214, %dma_start3A_219] : memref<4x8192x768xf32, #tpu.memory_space<hbm>> -> memref<1x16x768xf32, #tpu.memory_space<hbm>>
      %dma_start3A_221 = tpu.memref_squeeze %dma_start3A_220 : memref<1x16x768xf32, #tpu.memory_space<hbm>> -> memref<16x768xf32, #tpu.memory_space<hbm>>
      %dma_start3A_222 = arith.constant 0 : i32
      %dma_start3A_223 = tpu.memref_slice %arg4[%and3A_209, %add3A_214, %dma_start3A_222] : memref<4x8192x768xf32, #tpu.memory_space<hbm>> -> memref<1x16x768xf32, #tpu.memory_space<hbm>>
      %dma_start3A_224 = tpu.memref_squeeze %dma_start3A_223 : memref<1x16x768xf32, #tpu.memory_space<hbm>> -> memref<16x768xf32, #tpu.memory_space<hbm>>
      %dma_start3A_225 = arith.constant 0 : i32
      %dma_start3A_226 = arith.constant 0 : i32
      %dma_start3A_227 = tpu.memref_slice %arg6[%and3A_211, %dma_start3A_225, %dma_start3A_226] : memref<8x16x768xf32, #tpu.memory_space<vmem>> -> memref<1x16x768xf32, #tpu.memory_space<vmem>>
      %dma_start3A_228 = tpu.memref_squeeze %dma_start3A_227 : memref<1x16x768xf32, #tpu.memory_space<vmem>> -> memref<16x768xf32, #tpu.memory_space<vmem>>
      tpu.enqueue_dma source(%dma_start3A_228 : memref<16x768xf32, #tpu.memory_space<vmem>>) target(%dma_start3A_224 : memref<16x768xf32, #tpu.memory_space<hbm>>) target_semaphore(%arg9 : memref<!tpu.dma_semaphore, #tpu.memory_space<semaphore_mem>>)
      %ge3A = arith.constant 4 : i32
      %ge3A_229 = arith.cmpi sge, %add3A_168, %ge3A : i32
      %convert_element_type3A_230 = arith.extui %ge3A_229 : i1 to i32
      %cond3A_231 = arith.constant 0 : i32
      %cond3A_232 = arith.cmpi ne, %convert_element_type3A_230, %cond3A_231 : i32
      scf.if %cond3A_232 {
        %dma_wait3A_240 = arith.constant 0 : i32
        %dma_wait3A_241 = arith.constant 0 : i32
        %dma_wait3A_242 = arith.constant 0 : i32
        %dma_wait3A_243 = arith.constant 0 : i32
        %dma_wait3A_244 = tpu.memref_slice %arg6[%dma_wait3A_240, %dma_wait3A_242, %dma_wait3A_243] : memref<8x16x768xf32, #tpu.memory_space<vmem>> -> memref<1x16x768xf32, #tpu.memory_space<vmem>>
        %dma_wait3A_245 = tpu.memref_squeeze %dma_wait3A_244 : memref<1x16x768xf32, #tpu.memory_space<vmem>> -> memref<16x768xf32, #tpu.memory_space<vmem>>
        %dma_wait3A_246 = arith.constant 0 : i32
        %dma_wait3A_247 = arith.constant 0 : i32
        %dma_wait3A_248 = tpu.memref_slice %arg4[%dma_wait3A_241, %dma_wait3A_246, %dma_wait3A_247] : memref<4x8192x768xf32, #tpu.memory_space<hbm>> -> memref<1x16x768xf32, #tpu.memory_space<hbm>>
        %dma_wait3A_249 = tpu.memref_squeeze %dma_wait3A_248 : memref<1x16x768xf32, #tpu.memory_space<hbm>> -> memref<16x768xf32, #tpu.memory_space<hbm>>
        %dma_wait3A_250 = arith.constant 0 : i32
        %dma_wait3A_251 = arith.constant 0 : i32
        %dma_wait3A_252 = tpu.memref_slice %arg4[%dma_wait3A_241, %dma_wait3A_250, %dma_wait3A_251] : memref<4x8192x768xf32, #tpu.memory_space<hbm>> -> memref<1x16x768xf32, #tpu.memory_space<hbm>>
        %dma_wait3A_253 = tpu.memref_squeeze %dma_wait3A_252 : memref<1x16x768xf32, #tpu.memory_space<hbm>> -> memref<16x768xf32, #tpu.memory_space<hbm>>
        %dma_wait3A_254 = arith.constant 0 : i32
        %dma_wait3A_255 = arith.constant 0 : i32
        %dma_wait3A_256 = tpu.memref_slice %arg6[%dma_wait3A_240, %dma_wait3A_254, %dma_wait3A_255] : memref<8x16x768xf32, #tpu.memory_space<vmem>> -> memref<1x16x768xf32, #tpu.memory_space<vmem>>
        %dma_wait3A_257 = tpu.memref_squeeze %dma_wait3A_256 : memref<1x16x768xf32, #tpu.memory_space<vmem>> -> memref<16x768xf32, #tpu.memory_space<vmem>>
        tpu.wait_dma2 semaphore(%arg9 : memref<!tpu.dma_semaphore, #tpu.memory_space<semaphore_mem>>) src(%dma_wait3A_257 : memref<16x768xf32, #tpu.memory_space<vmem>>) dst(%dma_wait3A_253 : memref<16x768xf32, #tpu.memory_space<hbm>>)
      } else {
      }
      %add3A_233 = arith.constant 4 : i32
      %add3A_234 = arith.addi %add3A_168, %add3A_233 : i32
      %lt3A_235 = arith.constant 64 : i32
      %lt3A_236 = arith.cmpi slt, %add3A_234, %lt3A_235 : i32
      %convert_element_type3A_237 = arith.extui %lt3A_236 : i1 to i32
      %cond3A_238 = arith.constant 0 : i32
      %cond3A_239 = arith.cmpi ne, %convert_element_type3A_237, %cond3A_238 : i32
      scf.if %cond3A_239 {
        %add3A_240 = arith.constant 4 : i32
        %add3A_241 = arith.addi %add3A_168, %add3A_240 : i32
        %shift_right_arithmetic3A_242 = arith.constant 2 : i32
        %shift_right_arithmetic3A_243 = arith.shrsi %add3A_241, %shift_right_arithmetic3A_242 : i32
        %and3A_244 = arith.constant 3 : i32
        %and3A_245 = arith.andi %add3A_241, %and3A_244 : i32
        %mul3A_246 = arith.constant 16 : i32
        %mul3A_247 = arith.muli %shift_right_arithmetic3A_243, %mul3A_246 : i32
        %add3A_248 = arith.addi %mul3A_2, %mul3A_247 : i32
        %and3A_249 = arith.constant 7 : i32
        %and3A_250 = arith.andi %add3A_241, %and3A_249 : i32
        %dma_start3A_251 = arith.constant 0 : i32
        %dma_start3A_252 = arith.constant 0 : i32
        %dma_start3A_253 = tpu.memref_slice %arg6[%and3A_250, %dma_start3A_251, %dma_start3A_252] : memref<8x16x768xf32, #tpu.memory_space<vmem>> -> memref<1x16x768xf32, #tpu.memory_space<vmem>>
        %dma_start3A_254 = tpu.memref_squeeze %dma_start3A_253 : memref<1x16x768xf32, #tpu.memory_space<vmem>> -> memref<16x768xf32, #tpu.memory_space<vmem>>
        %dma_start3A_255 = arith.constant 0 : i32
        %dma_start3A_256 = tpu.memref_slice %arg2[%and3A_245, %add3A_248, %dma_start3A_255] : memref<4x8192x768xf32, #tpu.memory_space<hbm>> -> memref<1x16x768xf32, #tpu.memory_space<hbm>>
        %dma_start3A_257 = tpu.memref_squeeze %dma_start3A_256 : memref<1x16x768xf32, #tpu.memory_space<hbm>> -> memref<16x768xf32, #tpu.memory_space<hbm>>
        %dma_start3A_258 = arith.constant 0 : i32
        %dma_start3A_259 = arith.constant 0 : i32
        %dma_start3A_260 = tpu.memref_slice %arg6[%and3A_250, %dma_start3A_258, %dma_start3A_259] : memref<8x16x768xf32, #tpu.memory_space<vmem>> -> memref<1x16x768xf32, #tpu.memory_space<vmem>>
        %dma_start3A_261 = tpu.memref_squeeze %dma_start3A_260 : memref<1x16x768xf32, #tpu.memory_space<vmem>> -> memref<16x768xf32, #tpu.memory_space<vmem>>
        %dma_start3A_262 = arith.constant 0 : i32
        %dma_start3A_263 = tpu.memref_slice %arg2[%and3A_245, %add3A_248, %dma_start3A_262] : memref<4x8192x768xf32, #tpu.memory_space<hbm>> -> memref<1x16x768xf32, #tpu.memory_space<hbm>>
        %dma_start3A_264 = tpu.memref_squeeze %dma_start3A_263 : memref<1x16x768xf32, #tpu.memory_space<hbm>> -> memref<16x768xf32, #tpu.memory_space<hbm>>
        tpu.enqueue_dma source(%dma_start3A_264 : memref<16x768xf32, #tpu.memory_space<hbm>>) target(%dma_start3A_261 : memref<16x768xf32, #tpu.memory_space<vmem>>) target_semaphore(%arg8 : memref<!tpu.dma_semaphore, #tpu.memory_space<semaphore_mem>>)
      } else {
      }
    }
    %scan3A_92 = arith.constant 64 : i32
    %dma_wait3A = arith.constant 0 : i32
    %dma_wait3A_93 = arith.constant 0 : i32
    %dma_wait3A_94 = arith.constant 0 : i32
    %dma_wait3A_95 = arith.constant 0 : i32
    %dma_wait3A_96 = tpu.memref_slice %arg6[%dma_wait3A, %dma_wait3A_94, %dma_wait3A_95] : memref<8x16x768xf32, #tpu.memory_space<vmem>> -> memref<1x16x768xf32, #tpu.memory_space<vmem>>
    %dma_wait3A_97 = tpu.memref_squeeze %dma_wait3A_96 : memref<1x16x768xf32, #tpu.memory_space<vmem>> -> memref<16x768xf32, #tpu.memory_space<vmem>>
    %dma_wait3A_98 = arith.constant 0 : i32
    %dma_wait3A_99 = arith.constant 0 : i32
    %dma_wait3A_100 = tpu.memref_slice %arg4[%dma_wait3A_93, %dma_wait3A_98, %dma_wait3A_99] : memref<4x8192x768xf32, #tpu.memory_space<hbm>> -> memref<1x16x768xf32, #tpu.memory_space<hbm>>
    %dma_wait3A_101 = tpu.memref_squeeze %dma_wait3A_100 : memref<1x16x768xf32, #tpu.memory_space<hbm>> -> memref<16x768xf32, #tpu.memory_space<hbm>>
    %dma_wait3A_102 = arith.constant 0 : i32
    %dma_wait3A_103 = arith.constant 0 : i32
    %dma_wait3A_104 = tpu.memref_slice %arg4[%dma_wait3A_93, %dma_wait3A_102, %dma_wait3A_103] : memref<4x8192x768xf32, #tpu.memory_space<hbm>> -> memref<1x16x768xf32, #tpu.memory_space<hbm>>
    %dma_wait3A_105 = tpu.memref_squeeze %dma_wait3A_104 : memref<1x16x768xf32, #tpu.memory_space<hbm>> -> memref<16x768xf32, #tpu.memory_space<hbm>>
    %dma_wait3A_106 = arith.constant 0 : i32
    %dma_wait3A_107 = arith.constant 0 : i32
    %dma_wait3A_108 = tpu.memref_slice %arg6[%dma_wait3A, %dma_wait3A_106, %dma_wait3A_107] : memref<8x16x768xf32, #tpu.memory_space<vmem>> -> memref<1x16x768xf32, #tpu.memory_space<vmem>>
    %dma_wait3A_109 = tpu.memref_squeeze %dma_wait3A_108 : memref<1x16x768xf32, #tpu.memory_space<vmem>> -> memref<16x768xf32, #tpu.memory_space<vmem>>
    tpu.wait_dma2 semaphore(%arg9 : memref<!tpu.dma_semaphore, #tpu.memory_space<semaphore_mem>>) src(%dma_wait3A_109 : memref<16x768xf32, #tpu.memory_space<vmem>>) dst(%dma_wait3A_105 : memref<16x768xf32, #tpu.memory_space<hbm>>)
    %dma_wait3A_110 = arith.constant 0 : i32
    %dma_wait3A_111 = arith.constant 0 : i32
    %dma_wait3A_112 = arith.constant 0 : i32
    %dma_wait3A_113 = arith.constant 0 : i32
    %dma_wait3A_114 = tpu.memref_slice %arg6[%dma_wait3A_110, %dma_wait3A_112, %dma_wait3A_113] : memref<8x16x768xf32, #tpu.memory_space<vmem>> -> memref<1x16x768xf32, #tpu.memory_space<vmem>>
    %dma_wait3A_115 = tpu.memref_squeeze %dma_wait3A_114 : memref<1x16x768xf32, #tpu.memory_space<vmem>> -> memref<16x768xf32, #tpu.memory_space<vmem>>
    %dma_wait3A_116 = arith.constant 0 : i32
    %dma_wait3A_117 = arith.constant 0 : i32
    %dma_wait3A_118 = tpu.memref_slice %arg4[%dma_wait3A_111, %dma_wait3A_116, %dma_wait3A_117] : memref<4x8192x768xf32, #tpu.memory_space<hbm>> -> memref<1x16x768xf32, #tpu.memory_space<hbm>>
    %dma_wait3A_119 = tpu.memref_squeeze %dma_wait3A_118 : memref<1x16x768xf32, #tpu.memory_space<hbm>> -> memref<16x768xf32, #tpu.memory_space<hbm>>
    %dma_wait3A_120 = arith.constant 0 : i32
    %dma_wait3A_121 = arith.constant 0 : i32
    %dma_wait3A_122 = tpu.memref_slice %arg4[%dma_wait3A_111, %dma_wait3A_120, %dma_wait3A_121] : memref<4x8192x768xf32, #tpu.memory_space<hbm>> -> memref<1x16x768xf32, #tpu.memory_space<hbm>>
    %dma_wait3A_123 = tpu.memref_squeeze %dma_wait3A_122 : memref<1x16x768xf32, #tpu.memory_space<hbm>> -> memref<16x768xf32, #tpu.memory_space<hbm>>
    %dma_wait3A_124 = arith.constant 0 : i32
    %dma_wait3A_125 = arith.constant 0 : i32
    %dma_wait3A_126 = tpu.memref_slice %arg6[%dma_wait3A_110, %dma_wait3A_124, %dma_wait3A_125] : memref<8x16x768xf32, #tpu.memory_space<vmem>> -> memref<1x16x768xf32, #tpu.memory_space<vmem>>
    %dma_wait3A_127 = tpu.memref_squeeze %dma_wait3A_126 : memref<1x16x768xf32, #tpu.memory_space<vmem>> -> memref<16x768xf32, #tpu.memory_space<vmem>>
    tpu.wait_dma2 semaphore(%arg9 : memref<!tpu.dma_semaphore, #tpu.memory_space<semaphore_mem>>) src(%dma_wait3A_127 : memref<16x768xf32, #tpu.memory_space<vmem>>) dst(%dma_wait3A_123 : memref<16x768xf32, #tpu.memory_space<hbm>>)
    %dma_wait3A_128 = arith.constant 0 : i32
    %dma_wait3A_129 = arith.constant 0 : i32
    %dma_wait3A_130 = arith.constant 0 : i32
    %dma_wait3A_131 = arith.constant 0 : i32
    %dma_wait3A_132 = tpu.memref_slice %arg6[%dma_wait3A_128, %dma_wait3A_130, %dma_wait3A_131] : memref<8x16x768xf32, #tpu.memory_space<vmem>> -> memref<1x16x768xf32, #tpu.memory_space<vmem>>
    %dma_wait3A_133 = tpu.memref_squeeze %dma_wait3A_132 : memref<1x16x768xf32, #tpu.memory_space<vmem>> -> memref<16x768xf32, #tpu.memory_space<vmem>>
    %dma_wait3A_134 = arith.constant 0 : i32
    %dma_wait3A_135 = arith.constant 0 : i32
    %dma_wait3A_136 = tpu.memref_slice %arg4[%dma_wait3A_129, %dma_wait3A_134, %dma_wait3A_135] : memref<4x8192x768xf32, #tpu.memory_space<hbm>> -> memref<1x16x768xf32, #tpu.memory_space<hbm>>
    %dma_wait3A_137 = tpu.memref_squeeze %dma_wait3A_136 : memref<1x16x768xf32, #tpu.memory_space<hbm>> -> memref<16x768xf32, #tpu.memory_space<hbm>>
    %dma_wait3A_138 = arith.constant 0 : i32
    %dma_wait3A_139 = arith.constant 0 : i32
    %dma_wait3A_140 = tpu.memref_slice %arg4[%dma_wait3A_129, %dma_wait3A_138, %dma_wait3A_139] : memref<4x8192x768xf32, #tpu.memory_space<hbm>> -> memref<1x16x768xf32, #tpu.memory_space<hbm>>
    %dma_wait3A_141 = tpu.memref_squeeze %dma_wait3A_140 : memref<1x16x768xf32, #tpu.memory_space<hbm>> -> memref<16x768xf32, #tpu.memory_space<hbm>>
    %dma_wait3A_142 = arith.constant 0 : i32
    %dma_wait3A_143 = arith.constant 0 : i32
    %dma_wait3A_144 = tpu.memref_slice %arg6[%dma_wait3A_128, %dma_wait3A_142, %dma_wait3A_143] : memref<8x16x768xf32, #tpu.memory_space<vmem>> -> memref<1x16x768xf32, #tpu.memory_space<vmem>>
    %dma_wait3A_145 = tpu.memref_squeeze %dma_wait3A_144 : memref<1x16x768xf32, #tpu.memory_space<vmem>> -> memref<16x768xf32, #tpu.memory_space<vmem>>
    tpu.wait_dma2 semaphore(%arg9 : memref<!tpu.dma_semaphore, #tpu.memory_space<semaphore_mem>>) src(%dma_wait3A_145 : memref<16x768xf32, #tpu.memory_space<vmem>>) dst(%dma_wait3A_141 : memref<16x768xf32, #tpu.memory_space<hbm>>)
    %dma_wait3A_146 = arith.constant 0 : i32
    %dma_wait3A_147 = arith.constant 0 : i32
    %dma_wait3A_148 = arith.constant 0 : i32
    %dma_wait3A_149 = arith.constant 0 : i32
    %dma_wait3A_150 = tpu.memref_slice %arg6[%dma_wait3A_146, %dma_wait3A_148, %dma_wait3A_149] : memref<8x16x768xf32, #tpu.memory_space<vmem>> -> memref<1x16x768xf32, #tpu.memory_space<vmem>>
    %dma_wait3A_151 = tpu.memref_squeeze %dma_wait3A_150 : memref<1x16x768xf32, #tpu.memory_space<vmem>> -> memref<16x768xf32, #tpu.memory_space<vmem>>
    %dma_wait3A_152 = arith.constant 0 : i32
    %dma_wait3A_153 = arith.constant 0 : i32
    %dma_wait3A_154 = tpu.memref_slice %arg4[%dma_wait3A_147, %dma_wait3A_152, %dma_wait3A_153] : memref<4x8192x768xf32, #tpu.memory_space<hbm>> -> memref<1x16x768xf32, #tpu.memory_space<hbm>>
    %dma_wait3A_155 = tpu.memref_squeeze %dma_wait3A_154 : memref<1x16x768xf32, #tpu.memory_space<hbm>> -> memref<16x768xf32, #tpu.memory_space<hbm>>
    %dma_wait3A_156 = arith.constant 0 : i32
    %dma_wait3A_157 = arith.constant 0 : i32
    %dma_wait3A_158 = tpu.memref_slice %arg4[%dma_wait3A_147, %dma_wait3A_156, %dma_wait3A_157] : memref<4x8192x768xf32, #tpu.memory_space<hbm>> -> memref<1x16x768xf32, #tpu.memory_space<hbm>>
    %dma_wait3A_159 = tpu.memref_squeeze %dma_wait3A_158 : memref<1x16x768xf32, #tpu.memory_space<hbm>> -> memref<16x768xf32, #tpu.memory_space<hbm>>
    %dma_wait3A_160 = arith.constant 0 : i32
    %dma_wait3A_161 = arith.constant 0 : i32
    %dma_wait3A_162 = tpu.memref_slice %arg6[%dma_wait3A_146, %dma_wait3A_160, %dma_wait3A_161] : memref<8x16x768xf32, #tpu.memory_space<vmem>> -> memref<1x16x768xf32, #tpu.memory_space<vmem>>
    %dma_wait3A_163 = tpu.memref_squeeze %dma_wait3A_162 : memref<1x16x768xf32, #tpu.memory_space<vmem>> -> memref<16x768xf32, #tpu.memory_space<vmem>>
    tpu.wait_dma2 semaphore(%arg9 : memref<!tpu.dma_semaphore, #tpu.memory_space<semaphore_mem>>) src(%dma_wait3A_163 : memref<16x768xf32, #tpu.memory_space<vmem>>) dst(%dma_wait3A_159 : memref<16x768xf32, #tpu.memory_space<hbm>>)
    return
  }
}

</mosaic_0001>

<sc_bundles>
// kernel: kernel.3.cloned.1.call-start
scs
__scs_entry_jumppad:
0x0: {  	(pc) =	sbr.rel $0x88, $3  }
0x1: {  	(tag) =	ssettag $0x0;
	lr =	simm.s32 $0x1  }
0x2: {  	[smem:$0x3F9F] =	sst lr;
	_ =	strace $0xD0000000  }
0x3: {  	_ = 	snop  }
0x4: {  	_ = 	snop  }
0x5: {  	_ = 	snop  }
0x6: {  	_ = 	snop  }
0x7: {  	_ = 	snop  }
__scs_overlays_trampoline_lowered:
0x8: {  	[smem:$0x3FAE] =	sst s0  }
0x9: {  	[smem:$0x3FAF] =	sst s1  }
0xa: {  	[smem:$0x3FB0] =	sst s2  }
0xb: {  	[smem:$0x3FB1] =	sst s3  }
0xc: {  	[smem:$0x3FB2] =	sst s4  }
0xd: {  	[smem:$0x3FB3] =	sst s5  }
0xe: {  	[smem:$0x3FB4] =	sst s6  }
0xf: {  	[smem:$0x3FB5] =	sst s7  }
0x10: {  	[smem:$0x3FB6] =	sst s8  }
0x11: {  	[smem:$0x3FB7] =	sst s9;
	s0 =	simm.s32 @!p0 $0x0  }
0x12: {  	s1 =	sld [smem:$0x3F9D];
	s0 =	simm.s32 @p0 $0x1  }
0x13: {  	[smem:$0x3FB8] =	sst s0;
	s0 =	simm.s32 @!p1 $0x0  }
0x14: {  	s2 =	sld [smem:$0x3F9C];
	s0 =	simm.s32 @p1 $0x1  }
0x15: {  	[smem:$0x3FB9] =	sst s0;
	s0 =	simm.s32 @!p2 $0x0  }
0x16: {  	s3 =	sld [smem:$0x3FDB];
	s0 =	simm.s32 @p2 $0x1  }
0x17: {  	s4 =	simm.s32 $0x1BF5;
	[smem:$0x3FBB] =	sst s0  }
0x18: {  	s0 =	sld [smem:$0x3F9E];
	_ =	swait.ge [sflag:s4], $0x0  }
0x19: {  	s7 =	sld [smem:$0x3F9F]  }
0x1a: {  	s8 =	sadd.s32 $0xFFFFE003, lr  }
0x1b: {  	s9 =	sadd.s32 $0xFFFFFEF7, lr;
	s5 =	simm.s32 $0xFFFFFFFF;
	p2 =	slt.u32 s8, $0xFFFFF086  }
0x1c: {  	p1 =	slt.u32 s9, $0xF7A;
	s5 =	simm.s32 @!p2 $0x0  }
0x1d: {  	s5 =	simm.s32 @p1 $0x1;
	p0 =	seq.s32 s7, s2  }
0x1e: {  	s7 =	smul.u32 @!p0 $0xF7A, s2;
	p2 =	seq.s32 @!p0 s5, $0x0  }
0x1f: {  	s9 =	smul.u32 $0xF7A, s1;
	s8 =	simm.s32 @!p0 $0x1BF5;
	p2 =	por !p2, p0  }
0x20: {  	[sflag:s8] =	ssyncset.s32 @!p0 $0xFFFFF086;
	s6 =	sadd.s32 @!p0 s3, s7;
	s7 =	simm.s32 @!p0 $0x108  }
0x21: {  	s3 =	sadd.s32 s3, s9;
	s6 =	sadd.s32 @!p0 $0x88, s6;
	s7 =	simm.s32 @p2 $0x1082  }
0x22: {  	[simem:s7], [sflag:s8] =	dma.local @!p0 [hbm:s6], $0xF7A  }
0x23: {  	s9 =	sor.u32 $0xD0000000, s2;
	s6 =	simm.s32 $0x108;
	_ =	swait.ge @!p0 [sflag:s8], $0x0  }
0x24: {  	s3 =	sadd.s32 $0x88, s3;
	s6 =	simm.s32 @!p1 $0x1082;
	[sflag:s4] =	ssyncset.s32 $0xFFFFF086  }
0x25: {  	[simem:s6], [sflag:s4] =	dma.local [hbm:s3], $0xF7A  }
0x26: {  	[smem:$0x3F9F] =	sst s1;
	(tag) =	ssettag s2;
	_ =	strace s9  }
0x27: {  	s1 =	sld [smem:$0x3FAF]  }
0x28: {  	s2 =	sld [smem:$0x3FB0]  }
0x29: {  	s4 =	sld [smem:$0x3FB2]  }
0x2a: {  	p0 =	seq.s32 s5, $0x0;
	s5 =	sld [smem:$0x3FB3]  }
0x2b: {  	s6 =	sld [smem:$0x3FB4]  }
0x2c: {  	s7 =	sld [smem:$0x3FB5]  }
0x2d: {  	s3 =	simm.s32 $0x108;
	s8 =	sld [smem:$0x3FB6]  }
0x2e: {  	s3 =	simm.s32 @!p0 $0x1082;
	s9 =	sld [smem:$0x3FB7]  }
0x2f: {  	lr =	sadd.s32 s0, s3;
	s0 =	sld [smem:$0x3FAE]  }
0x30: {  	s3 =	sld [smem:$0x3FB1]  }
0x31: {  	[smem:$0x3FBA] =	sst s10  }
0x32: {  	s10 =	sld [smem:$0x3FB8];
	_ =	sdelay $0x3  }
0x33: {  	p0 =	seq.s32 s10, $0x1;
	s10 =	sld [smem:$0x3FBA];
	_ =	sdelay $0x3  }
0x34: {  	[smem:$0x3FBA] =	sst s10  }
0x35: {  	s10 =	sld [smem:$0x3FB9];
	_ =	sdelay $0x3  }
0x36: {  	p1 =	seq.s32 s10, $0x1;
	s10 =	sld [smem:$0x3FBA];
	_ =	sdelay $0x3  }
0x37: {  	[smem:$0x3FBA] =	sst s10  }
0x38: {  	s10 =	sld [smem:$0x3FBB]  }
0x39: {  	_ = 	snop;
	(pc) =	sbr.ind lr, $3  }
0x3a: {  	_ = 	snop  }
0x3b: {  	_ = 	snop  }
0x3c: {  	p2 =	seq.s32 s10, $0x1;
	s10 =	sld [smem:$0x3FBA]  }
0x3d: {  	_ =	shalt  }
0x3e: {  	_ =	shalt  }
0x3f: {  	_ =	shalt  }
0x40: {  	_ =	shalt  }
0x41: {  	_ =	shalt  }
0x42: {  	_ =	shalt  }
0x43: {  	_ =	shalt  }
0x44: {  	_ =	shalt  }
0x45: {  	_ =	shalt  }
0x46: {  	_ =	shalt  }
0x47: {  	_ =	shalt  }
0x48: {  	_ =	shalt  }
0x49: {  	_ =	shalt  }
0x4a: {  	_ =	shalt  }
0x4b: {  	_ =	shalt  }
0x4c: {  	_ =	shalt  }
0x4d: {  	_ =	shalt  }
0x4e: {  	_ =	shalt  }
0x4f: {  	_ =	shalt  }
0x50: {  	_ =	shalt  }
0x51: {  	_ =	shalt  }
0x52: {  	_ =	shalt  }
0x53: {  	_ =	shalt  }
0x54: {  	_ =	shalt  }
0x55: {  	_ =	shalt  }
0x56: {  	_ =	shalt  }
0x57: {  	_ =	shalt  }
0x58: {  	_ =	shalt  }
0x59: {  	_ =	shalt  }
0x5a: {  	_ =	shalt  }
0x5b: {  	_ =	shalt  }
0x5c: {  	_ =	shalt  }
0x5d: {  	_ =	shalt  }
0x5e: {  	_ =	shalt  }
0x5f: {  	_ =	shalt  }
0x60: {  	_ =	shalt  }
0x61: {  	_ =	shalt  }
0x62: {  	_ =	shalt  }
0x63: {  	_ =	shalt  }
0x64: {  	_ =	shalt  }
0x65: {  	_ =	shalt  }
0x66: {  	_ =	shalt  }
0x67: {  	_ =	shalt  }
0x68: {  	_ =	shalt  }
0x69: {  	_ =	shalt  }
0x6a: {  	_ =	shalt  }
0x6b: {  	_ =	shalt  }
0x6c: {  	_ =	shalt  }
0x6d: {  	_ =	shalt  }
0x6e: {  	_ =	shalt  }
0x6f: {  	_ =	shalt  }
0x70: {  	_ =	shalt  }
0x71: {  	_ =	shalt  }
0x72: {  	_ =	shalt  }
0x73: {  	_ =	shalt  }
0x74: {  	_ =	shalt  }
0x75: {  	_ =	shalt  }
0x76: {  	_ =	shalt  }
0x77: {  	_ =	shalt  }
0x78: {  	_ =	shalt  }
0x79: {  	_ =	shalt  }
0x7a: {  	_ =	shalt  }
0x7b: {  	_ =	shalt  }
0x7c: {  	_ =	shalt  }
0x7d: {  	_ =	shalt  }
0x7e: {  	_ =	shalt  }
0x7f: {  	_ =	shalt  }
0x80: {  	_ =	shalt  }
0x81: {  	_ =	shalt  }
0x82: {  	_ =	shalt  }
0x83: {  	_ =	shalt  }
0x84: {  	_ =	shalt  }
0x85: {  	_ =	shalt  }
0x86: {  	_ =	shalt  }
0x87: {  	_ =	shalt  }
.Lfunc_end0:
.L_simem_size_0:
called_computation_lowered:
.L_overlay_start_0:
0x88: {  	s2 =	sld [smem:$0x3FD9]  }
0x89: {  	s3 =	sld [smem:$0x3FFE];
	_ =	sdelay $0x1  }
0x8a: {  	s1 =	srdreg.scid  }
0x8b: {  	s0 =	sand.u32 $0x1, s1  }
0x8c: {  	s18 =	sshll.u32 s0, $0xA;
	s2 =	sadd.s32 s3, s2  }
0x8d: {  	s2 =	sadd.s32 s2, s18  }
0x8e: {  	[smem:$0x3FC6] =	sst s2  }
0x8f: {  	_ = 	snop  }
0x90: {  	s2 =	sld [smem:$0x3FC9]  }
0x91: {  	s19 =	sld [smem:$0x3FC8]  }
0x92: {  	s4 =	sld [smem:$0x3FD0];
	(tm) =	ssettm $0x1  }
0x93: {  	s5 =	sld [smem:$0x3FFB];
	_ =	sdelay $0x3  }
0x94: {  	_ =	strace s5  }
0x95: {  	s5 =	sld [smem:$0x3FFC];
	_ =	sdelay $0x3  }
0x96: {  	_ =	strace s5  }
0x97: {  	s5 =	sld [smem:$0x3FFD];
	_ =	sdelay $0x3  }
0x98: {  	_ =	strace s5  }
0x99: {  	_ =	strace $0x8FFFFFFF  }
0x9a: {  	s20 =	sld [smem:$0x3FDB];
	_ =	sdelay $0x1  }
0x9b: {  	s6 =	simm.s32 $_scs_section_size  }
0x9c: {  	s7 =	simm.s32 $_size__tile_overlayer_lowered;
	s8 =	simm.s32 $_tile_overlayer_lowered  }
0x9d: {  	s23 =	simm.s32 $0x1BFF;
	s22 =	sshll.u32 s8, $0x1;
	s5 =	sadd.s32 s6, s20  }
0x9e: {  	s9 =	simm.s32 $0x0;
	s21 =	sshll.u32 s7, $0x1;
	s7 =	sadd.s32 s22, s5  }
0x9f: {  	[timem:s9], [sflag:s23] =	dma.local [hbm:s7], s21  }
0xa0: {  	_ =	swait.ge [sflag:s23], s21  }
0xa1: {  	s6 =	ssub.s32 $0x0, s21;
	[sflag:s23] =	ssyncset.done $0x0  }
0xa2: {  	[sflag:s23] =	ssyncadd.s32 s6;
	_ =	sdelay $0x1  }
0xa3: {  	s24 =	simm.s32 $0x1B8B  }
0xa4: {  	_ =	swait.ge [sflag:s24], $0x1  }
0xa5: {  	[sflag:s24] =	ssyncset.done $0x0  }
0xa6: {  	s25 =	simm.s32 $0x1B8E;
	[sflag:s24] =	ssyncadd.s32 $0xFFFFFFFF  }
0xa7: {  	s26 =	simm.s32 $execute0_lowered;
	[smem:$0x3FD2] =	sst s25  }
0xa8: {  	s6 =	sshll.u32 s26, $0x1;
	_ =	strace $0x80000046;
	[dreg:$0x1] =	wrdreg $0xFFFFFFFF  }
0xa9: {  	s28 =	simm.s32 $_size_execute0_lowered;
	s5 =	sadd.s32 s5, s6;
	[dreg:$0x0] =	wrdreg $0x0  }
0xaa: {  	s6 =	sshll.u32 s28, $0x1;
	[dreg:$0x2] =	wrdreg s5  }
0xab: {  	[dreg:$0x3] =	wrdreg s6  }
0xac: {  	[dreg:$0x4] =	wrdreg $0xC0  }
0xad: {  	_ =	task [dreg:s9], $0x5FFFF  }
0xae: {  	[dreg:$0x1] =	wrdreg $0xFFFFFFFF  }
0xaf: {  	[dreg:$0x0] =	wrdreg $0x60  }
0xb0: {  	[dreg:$0x2] =	wrdreg s2  }
0xb1: {  	[dreg:$0x3] =	wrdreg s19  }
0xb2: {  	[dreg:$0x4] =	wrdreg s4  }
0xb3: {  	[dreg:$0x5] =	wrdreg $0x9  }
0xb4: {  	_ =	task.clear_ibuf [dreg:s9], $0x6FFFF;
	_ =	strace $0x90000046  }
0xb5: {  	s29 =	simm.s32 $0x9;
	_ =	strace $0x80000048  }
0xb6: {  	_ =	swait.ge [sflag:s29], $0x1  }
0xb7: {  	[sflag:s29] =	ssyncadd.s32 $0xFFFFFFFF  }
0xb8: {  	_ =	strace $0x90000048  }
0xb9: {  	_ =	sfence  }
0xba: {  	s30 =	sld [smem:$0x0];
	_ =	sdelay $0x2  }
0xbb: {  	s31 =	sshll.u32 s1, $0xD;
	s1 =	sshrl.u32 s1, $0x2  }
0xbc: {  	s3 =	sand.u32 $0x4000, s31;
	s1 =	sadd.s32 s1, s30  }
0xbd: {  	s0 =	sor.u32 s3, s0;
	s1 =	sshll.u32 s1, $0x11  }
0xbe: {  	s0 =	sor.u32 s1, s0  }
0xbf: {  	s0 =	sadd.s32 $0x8F2B, s0  }
0xc0: {  	[sflag:s0] =	ssyncadd.remote.s32 $0x1  }
0xc1: {  	_ =	sfence.sel $0xFFFF  }
0xc2: {  	[dreg:$0x0] =	wrdreg $0xFFFFFFFF;
	(pc) =	sbr.abs _section_cstart, $3  }
0xc3: {  	[dreg:$0x1] =	wrdreg $0xFFFFFFFF  }
0xc4: {  	_ =	task.clear_ibuf [dreg:s9], $0x2FFFF;
	_ =	strace $0x9FFFFFFF  }
0xc5: {  	(tm) =	ssettm $0x7FFFFFFF  }
tec
execute0_lowered:
.L_overlay_start_1:
0x0: {  	(tag) =	ssettag $0x1  }
0x1: {  	s1 =	srdreg.scid  }
0x2: {  	s0 =	stileid.u32;
	s1 =	sand.u32 $0x1, s1  }
0x3: {  	s4 =	sshll.u32 s0, $0x8;
	s3 =	sshll.u32 s1, $0xC  }
0x4: {  	s2 =	rddreg [dreg:$0x0];
	s3 =	sor.u32 s4, s3  }
0x5: {  	s5 =	rddreg [dreg:$0x2];
	s6 =	sshrl.u32 s3, $0x3  }
0x6: {  	s17 =	simm.s32 $0x2;
	s18 =	simm.s32 $0x3;
	s7 =	smul.u32 $0x1800, s6  }
0x7: {  	s19 =	simm.s32 $0x0;
	s1 =	ssub.s32 $0x2, s1;
	s4 =	rddreg [dreg:$0x1]  }
0x8: {  	s8 =	sshrl.u32 s1, $0x1;
	s6 =	simm.s32 $0x0;
	s9 =	sshrl.u32 s7, $0x3  }
0x9: {  	[smem:$0x7FF] =	sst s6;
	s7 =	sadd.s32 s2, s9;
	s29 =	sadd.s32 s4, s9  }
0xa: {  	_ =	strace $0x80000047;
	[dreg:$0x4] =	wrdreg s29;
	s30 =	sadd.s32 $0xC0000, s7  }
0xb: {  	s1 =	ssub.s32 s1, s8;
	s31 =	sadd.s32 $0x180000, s7;
	[dreg:$0x5] =	wrdreg s30  }
0xc: {  	s12 =	smax.u32 s1, $0x1;
	s11 =	sadd.s32 $0x240000, s7;
	[dreg:$0x6] =	wrdreg s31  }
.LBB2_1:
0xd: {  	s0 =	rddreg [dreg:$0x4]  }
0xe: {  	[tilespmem:s6], [sflag:$0x1] =	stream.linear.gather [hbm4b:s0+s6], $0x3000, $0x38;
	[tilespmem:$0x1E000] =	vst v63  }
0xf: {  	s26 =	simm.s32 $0x6000  }
0x10: {  	[tilespmem:s26], [sflag:$0x2] =	stream.linear.gather [hbm4b:s7+s6], $0x3000, $0x38;
	[tilespmem:$0x1E000] =	vst v63  }
0x11: {  	s28 =	rddreg [dreg:$0x5];
	s1 =	simm.s32 $0x9000  }
0x12: {  	[tilespmem:s1], [sflag:$0x2] =	stream.linear.gather [hbm4b:s28+s6], $0x3000, $0x38;
	[tilespmem:$0x1E000] =	vst v63  }
0x13: {  	s29 =	rddreg [dreg:$0x6];
	s30 =	simm.s32 $0xC000  }
0x14: {  	[tilespmem:s30], [sflag:$0x2] =	stream.linear.gather [hbm4b:s29+s6], $0x3000, $0x38;
	[tilespmem:$0x1E000] =	vst v63  }
0x15: {  	s31 =	simm.s32 $0xF000;
	s20 =	simm.s32 $0x0  }
0x16: {  	[tilespmem:s31], [sflag:$0x2] =	stream.linear.gather [hbm4b:s11+s6], $0x3000, $0x38;
	[tilespmem:$0x1E000] =	vst v63  }
.LBB2_2:
0x17: {  	s21 =	sand.u32 $0x3, s20  }
0x18: {  	p1 =	sne.s32 s21, $0x0  }
0x19: {  	p2 =	sgt.u32 @!p1 s20, $0x3B  }
0x1a: {  	s22 =	sshrl.u32 s20, $0x2;
	s1 =	simm.s32 @!p1 $0x1;
	p0 =	por p2, p1  }
0x1b: {  	_ =	swait.ge @!p1 [sflag:s1], $0x3000;
	s23 =	sadd.s32 @!p0 $0x1, s22  }
0x1c: {  	[sflag:s1] =	ssyncset.done @!p1 $0x0;
	s24 =	sshll.u32 @!p0 s23, $0x4;
	s23 =	sand.u32 @!p0 $0x1, s23  }
0x1d: {  	[sflag:s1] =	ssyncadd.s32 @!p1 $0xFFFFD000;
	s1 =	sadd.s32 @!p0 s3, s24;
	p3 =	seq.s32 @!p0 s23, $0x1  }
0x1e: {  	s13 =	sand.u32 $0x1, s22;
	s1 =	sshrl.u32 @!p0 s1, $0x3;
	p2 =	por @!p1 !p3, p2  }
0x1f: {  	s23 =	simm.s32 @!p0 $0x3000;
	p1 =	por !p2, p1;
	s1 =	smul.u32 @!p0 $0x300, s1  }
0x20: {  	s24 =	simm.s32 $0x3000;
	s23 =	simm.s32 @!p1 $0x0;
	p1 =	seq.s32 s13, $0x1  }
0x21: {  	s25 =	simm.s32 @!p0 $0x0;
	s1 =	sadd.s32 @!p0 s4, s1;
	s24 =	simm.s32 @!p1 $0x0  }
0x22: {  	[tilespmem:s23], [sflag:$0x1] =	stream.linear.gather @!p0 [hbm4b:s1+s25], $0x3000, $0x38;
	v0 =	vmov s24;
	[tilespmem:$0x1E000] =	vst v63  }
0x23: {  	s14 =	simm.s32 $0x0;
	s23 =	simm.s32 $0x0;
	s24 =	simm.s32 $0x0  }
0x24: {  	s1 =	sand.u32 $0x1800, s14;
	_ =	swait.ge [sflag:s17], $0x3000;
	s15 =	sand.u32 $0x1C00, s23  }
0x25: {  	s26 =	sand.u32 $0x70, s24;
	[sflag:s17] =	ssyncset.done $0x0;
	s1 =	sadd.s32 s15, s1  }
0x26: {  	[sflag:s17] =	ssyncadd.s32 $0xFFFFD000;
	s26 =	sor.u32 s26, s1  }
0x27: {  	s1 =	sor.u32 $0x380, s26;
	v1 =	vld.idx.msk [tilespmem:v0+s26+$0x0 ss:$0x1], $0xffff  }
0x28: {  	s16 =	sand.u32 $0x7, s20;
	s28 =	sor.u32 $0x80, s26;
	v6 =	vld.idx.msk [tilespmem:v0+s1+$0x0 ss:$0x1], $0xffff  }
0x29: {  	s25 =	smul.u32 $0xC000, s16;
	s29 =	sor.u32 $0x100, s26;
	v7 =	vld.idx.msk [tilespmem:v0+s28+$0x0 ss:$0x1], $0xffff  }
0x2a: {  	s30 =	sor.u32 $0x180, s26;
	v2 =	vld.idx.msk [tilespmem:v0+s29+$0x0 ss:$0x1], $0xffff  }
0x2b: {  	s25 =	sshrl.u32 s25, $0x2;
	s0 =	sor.u32 $0x200, s26;
	v4 =	vld.idx.msk [tilespmem:v0+s30+$0x0 ss:$0x1], $0xffff  }
0x2c: {  	s25 =	sadd.s32 $0x6000, s25;
	s13 =	sor.u32 $0x280, s26;
	v5 =	vld.idx.msk [tilespmem:v0+s0+$0x0 ss:$0x1], $0xffff  }
0x2d: {  	v3 =	vld.idx.msk [tilespmem:v0+s13+$0x0 ss:$0x1], $0xffff;
	s1 =	sadd.s32 s1, s25  }
0x2e: {  	s15 =	sor.u32 $0x300, s26;
	s14 =	sadd.s32 s28, s25;
	[tilespmem:s1+$0x0] =	vst.add.f32.msk $0xffff, v6  }
0x2f: {  	s31 =	sadd.s32 s30, s25;
	s30 =	sadd.s32 s0, s25;
	s28 =	sadd.s32 s13, s25;
	v6 =	vld.idx.msk [tilespmem:v0+s15+$0x0 ss:$0x1], $0xffff  }
0x30: {  	s26 =	sadd.s32 s26, s25;
	s1 =	sadd.s32 s29, s25;
	s29 =	sadd.s32 s15, s25;
	[tilespmem:s14+$0x0] =	vst.add.f32.msk $0xffff, v7  }
.LBB2_3:
0x31: {  	s24 =	sadd.s32 $0x8, s24;
	[tilespmem:s1+$0x0] =	vst.add.f32.msk $0xffff, v2  }
0x32: {  	s0 =	sshll.u32 s24, $0x1C;
	p0 =	slt.u32 s24, $0x2F8;
	[tilespmem:s31+$0x0] =	vst.add.f32.msk $0xffff, v4  }
0x33: {  	s23 =	sadd.s32 $0x40, s23;
	s0 =	sshra.s32 s0, $0x1F;
	[tilespmem:s30+$0x0] =	vst.add.f32.msk $0xffff, v5  }
0x34: {  	s1 =	sand.u32 $0x1C00, s23;
	s0 =	sand.u32 $0x1800, s0;
	[tilespmem:s28+$0x0] =	vst.add.f32.msk $0xffff, v3  }
0x35: {  	s13 =	sand.u32 $0x70, s24;
	s0 =	sadd.s32 s1, s0;
	[tilespmem:s29+$0x0] =	vst.add.f32.msk $0xffff, v6  }
0x36: {  	s0 =	sor.u32 s13, s0;
	[tilespmem:s26+$0x0] =	vst.add.f32.msk $0xffff, v1  }
0x37: {  	v1 =	vld.idx.msk [tilespmem:v0+s0+$0x0 ss:$0x1], $0xffff;
	s1 =	sor.u32 $0x80, s0;
	s13 =	sor.u32 $0x100, s0;
	s14 =	sor.u32 $0x380, s0  }
0x38: {  	s15 =	sor.u32 $0x180, s0;
	s16 =	sor.u32 $0x200, s0;
	s8 =	sor.u32 $0x280, s0;
	v6 =	vld.idx.msk [tilespmem:v0+s14+$0x0 ss:$0x1], $0xffff  }
0x39: {  	s10 =	sor.u32 $0x300, s0;
	s9 =	sadd.s32 s1, s25;
	v7 =	vld.idx.msk [tilespmem:v0+s1+$0x0 ss:$0x1], $0xffff;
	s1 =	sadd.s32 s13, s25  }
0x3a: {  	s31 =	sadd.s32 s15, s25;
	s30 =	sadd.s32 s16, s25;
	s28 =	sadd.s32 s8, s25;
	v2 =	vld.idx.msk [tilespmem:v0+s13+$0x0 ss:$0x1], $0xffff  }
0x3b: {  	s26 =	sadd.s32 s0, s25;
	s29 =	sadd.s32 s10, s25;
	v4 =	vld.idx.msk [tilespmem:v0+s15+$0x0 ss:$0x1], $0xffff  }
.Ltmp0:
0x3c: {  	v5 =	vld.idx.msk [tilespmem:v0+s16+$0x0 ss:$0x1], $0xffff;
	(pc) =	sbr.rel @p0 .LBB2_3-.Ltmp0, $4  }
0x3d: {  	s0 =	sadd.s32 s14, s25;
	v3 =	vld.idx.msk [tilespmem:v0+s8+$0x0 ss:$0x1], $0xffff  }
0x3e: {  	[tilespmem:s0+$0x0] =	vst.add.f32.msk $0xffff, v6  }
0x3f: {  	v6 =	vld.idx.msk [tilespmem:v0+s10+$0x0 ss:$0x1], $0xffff  }
0x40: {  	[tilespmem:s9+$0x0] =	vst.add.f32.msk $0xffff, v7  }
0x41: {  	s0 =	sshll.u32 s22, $0x4  }
0x42: {  	s0 =	sadd.s32 s3, s0  }
0x43: {  	[tilespmem:s1+$0x0] =	vst.add.f32.msk $0xffff, v2;
	s1 =	smul.u32 $0x600000, s21;
	s0 =	sshrl.u32 s0, $0x3  }
0x44: {  	[tilespmem:s31+$0x0] =	vst.add.f32.msk $0xffff, v4;
	s0 =	smul.u32 $0x1800, s0  }
0x45: {  	[tilespmem:s30+$0x0] =	vst.add.f32.msk $0xffff, v5  }
0x46: {  	[tilespmem:s26+$0x0] =	vst.add.f32.msk $0xffff, v1;
	s0 =	sadd.s32 s1, s0  }
0x47: {  	[tilespmem:s28+$0x0] =	vst.add.f32.msk $0xffff, v3;
	s0 =	sshrl.u32 s0, $0x3  }
0x48: {  	p0 =	slt.u32 s20, $0x4;
	[tilespmem:s29+$0x0] =	vst.add.f32.msk $0xffff, v6;
	s0 =	sadd.s32 s5, s0  }
0x49: {  	[hbm4b:s0+s6] =	stream.linear.scatter [tilespmem:s25], [sflag:$0x3], $0x3000, $0x38;
	[tilespmem:$0x1E000] =	vst v63  }
0x4a: {  	s0 =	simm.s32 @!p0 $0x3  }
0x4b: {  	p1 =	sgt.u32 @!p0 s20, $0x3B;
	_ =	swait.ge @!p0 [sflag:s0], $0x3000  }
0x4c: {  	p1 =	por p0, !p1;
	[sflag:s0] =	ssyncset.done @!p0 $0x0  }
0x4d: {  	[sflag:s0] =	ssyncadd.s32 @!p0 $0xFFFFD000;
	s0 =	sadd.s32 @p1 $0x4, s20  }
0x4e: {  	s8 =	sshll.u32 @p1 s0, $0x2  }
0x4f: {  	s8 =	sand.u32 @p1 $0x1F0, s8  }
0x50: {  	s0 =	sand.u32 @p1 $0x7, s0;
	s8 =	sadd.s32 @p1 s3, s8  }
0x51: {  	s20 =	sadd.s32 $0x1, s20;
	s0 =	smul.u32 @p1 $0xC000, s0;
	s8 =	sshrl.u32 @p1 s8, $0x3  }
0x52: {  	p0 =	sne.s32 s20, $0x40;
	s8 =	smul.u32 @p1 $0x1800, s8  }
.Ltmp1:
0x53: {  	_ = 	snop;
	(pc) =	sbr.rel @p0 .LBB2_2-.Ltmp1, $4  }
0x54: {  	s1 =	sadd.s32 @p1 s1, s8  }
0x55: {  	s0 =	sshrl.u32 @p1 s0, $0x2;
	s1 =	sshrl.u32 @p1 s1, $0x3  }
0x56: {  	s0 =	sadd.s32 @p1 $0x6000, s0;
	s1 =	sadd.s32 @p1 s2, s1  }
0x57: {  	[tilespmem:s0], [sflag:$0x2] =	stream.linear.gather @p1 [hbm4b:s1+s6], $0x3000, $0x38;
	[tilespmem:$0x1E000] =	vst v63  }
0x58: {  	_ =	swait.ge [sflag:s18], $0x3000  }
0x59: {  	[sflag:s18] =	ssyncset.done $0x0  }
0x5a: {  	[sflag:s18] =	ssyncadd.s32 $0xFFFFD000  }
0x5b: {  	_ =	swait.ge [sflag:s18], $0x3000  }
0x5c: {  	[sflag:s18] =	ssyncset.done $0x0  }
0x5d: {  	s19 =	sadd.s32 $0x1, s19;
	[sflag:s18] =	ssyncadd.s32 $0xFFFFD000  }
0x5e: {  	p0 =	sne.s32 s19, s12;
	_ =	swait.ge [sflag:s18], $0x3000  }
.Ltmp2:
0x5f: {  	[sflag:s18] =	ssyncset.done $0x0;
	(pc) =	sbr.rel @p0 .LBB2_1-.Ltmp2, $4  }
0x60: {  	[sflag:s18] =	ssyncadd.s32 $0xFFFFD000  }
0x61: {  	_ =	swait.ge [sflag:s18], $0x3000  }
0x62: {  	[sflag:s18] =	ssyncset.done $0x0  }
0x63: {  	[sflag:s18] =	ssyncadd.s32 $0xFFFFD000  }
0x64: {  	_ =	sfence.sel $0x180000  }
0x65: {  	[bflag:$0x0] =	sbarrier.arrive $0xFFFF  }
0x66: {  	_ =	strace $0x90000047  }
0x67: {  	s0 =	stileid.u32;
	[bflag:$0x2] =	sbarrier.arrive $0xFFFF  }
0x68: {  	p0 =	sne.s32 s0, $0x0;
	s0 =	rddreg [dreg:$0x3]  }
0x69: {  	s0 =	sadd.s32 @!p0 $0x100000, s0  }
0x6a: {  	[sflag:s0] =	ssyncadd.tile.s32 @!p0 $0x1;
	_ =	shalt  }
.Lfunc_end2:
_tile_overlayer_lowered:
.L_overlay_start_2:
0x6b: {  	(tag) =	ssettag $0x2  }
0x6c: {  	s0 =	rddreg [dreg:$0x0];
	s2 =	stileid.u32  }
0x6d: {  	s1 =	rddreg [dreg:$0x1];
	p0 =	sne.s32 s2, $0x0  }
0x6e: {  	s3 =	rddreg [dreg:$0x2];
	[bflag:$0x3] =	sbarrier.arrive $0xFFFF;
	s2 =	simm.s32 @!p0 $0x1C04  }
0x6f: {  	[timem:s3], [sflag:s2] =	dma.local @!p0 [hbm:s0], s1  }
0x70: {  	s0 =	simm.s32 @!p0 $0x4  }
0x71: {  	_ =	swait.ge @!p0 [sflag:s0], s1  }
0x72: {  	s1 =	ssub.s32 @!p0 $0x0, s1;
	[sflag:s0] =	ssyncset.done @!p0 $0x0  }
0x73: {  	[sflag:s0] =	ssyncadd.s32 @!p0 s1  }
0x74: {  	[bflag:$0x3] =	sbarrier.arrive $0xFFFF  }
0x75: {  	_ =	shalt  }

</sc_bundles>
